<compile_context>
chip_gen: v7x
topology: tpu7x:2x2x1
jax: 0.10.2.dev20260603
libtpu: 0.0.44.dev20260713+nightly
codegen_flags: <defaults>
</compile_context>

<pallas_src>
import jax
import jax.numpy as jnp
from jax import lax
from jax.experimental import pallas as pl
from jax.experimental.pallas import tpu as pltpu
from jax.experimental.pallas import tpu_sc as plsc

_N, _D, _V, _B, _M = 1024, 256, 100000, 16, 64
_VT = 4096
_NT = (_V + _VT - 1) // _VT
_PAD = _NT * _VT - _V
_LOG2E = 1.4426950408889634


def _stream_kernel(enc_ref, wt_ref, s_ref):
    i = pl.program_id(0)

    @pl.when(i == 0)
    def _init():
        s_ref[...] = jnp.zeros((_N, 1), jnp.float32)

    @pl.when(i == _NT - 1)
    def _zero_pad():
        wt_ref[_VT - _PAD:, :] = jnp.zeros((_PAD, _D), jnp.float32)

    wt = wt_ref[...].astype(jnp.bfloat16)
    logits2 = jax.lax.dot_general(enc_ref[...], wt, (((1,), (1,)), ((), ())),
                                  preferred_element_type=jnp.float32)
    s_ref[...] += jnp.sum(jnp.exp2(logits2), axis=1, keepdims=True)


def _finalize_kernel(s_ref, enc_ref, wg_ref, wn_ref, aux_ref, wt_ref,
                     ridx_ref, rmask_ref, ast_ref, ren_ref, unch_ref):
    wg = wg_ref[...].astype(jnp.bfloat16).astype(jnp.float32)
    enc = enc_ref[...].astype(jnp.float32)
    t = jnp.sum(enc * wg, axis=1, keepdims=True)

    s = s_ref[...] - float(_PAD)
    ll = t * (1.0 / _LOG2E) - jnp.log(s)
    wn = wn_ref[...]
    aux = aux_ref[...]
    ren = jnp.sum(ll * wn) / jnp.sum(wn)
    unch = jnp.sum(ll * aux) / jnp.sum(aux)
    ren_ref[...] = jnp.exp(-ren)[None, None]
    unch_ref[...] = jnp.exp(-unch)[None, None]

    packed = ll * wt_ref[...]
    iota_n = jax.lax.broadcasted_iota(jnp.int32, (_B * _M, _N), 1)
    eq = (iota_n == ridx_ref[...]).astype(jnp.float32)
    g = jax.lax.dot_general(eq, packed, (((1,), (0,)), ((), ())),
                            preferred_element_type=jnp.float32)
    g = g * rmask_ref[...]
    jb = jax.lax.broadcasted_iota(jnp.int32, (_B, _B * _M), 1)
    bb = jax.lax.broadcasted_iota(jnp.int32, (_B, _B * _M), 0)
    seg = (jb // _M == bb).astype(jnp.float32)
    num = jax.lax.dot_general(seg, g, (((1,), (0,)), ((), ())),
                              preferred_element_type=jnp.float32)
    den = jax.lax.dot_general(seg, rmask_ref[...], (((1,), (0,)), ((), ())),
                              preferred_element_type=jnp.float32)
    ast_ref[...] = num / den


def _sc_gather(wt, tgt):
    info = plsc.get_sparse_core_info()
    n_cores, n_sub = info.num_cores, info.num_subcores
    n_workers = n_cores * n_sub
    rows_per_w = _N // n_workers

    def body(wt_hbm, tgt_hbm, out_hbm, idx_v, rows_v, sem):
        wid = lax.axis_index("s") * n_cores + lax.axis_index("c")
        base = wid * rows_per_w
        pltpu.sync_copy(tgt_hbm.at[pl.ds(base, rows_per_w)], idx_v)
        pltpu.async_copy(wt_hbm.at[idx_v], rows_v, sem).wait()
        pltpu.sync_copy(rows_v, out_hbm.at[pl.ds(base, rows_per_w)])

    return pl.kernel(
        body,
        mesh=plsc.VectorSubcoreMesh(core_axis_name="c", subcore_axis_name="s"),
        out_type=jax.ShapeDtypeStruct((_N, _D), jnp.float32),
        scratch_types=[
            pltpu.VMEM((rows_per_w,), jnp.int32),
            pltpu.VMEM((rows_per_w, _D), jnp.float32),
            pltpu.SemaphoreType.DMA,
        ],
    )(wt, tgt)


def kernel(var_encoding, variable_tgt_name_id, var_with_new_name_mask,
           auxiliary_var_mask, variable_tgt_name_weight,
           variable_master_node_restoration_indices,
           variable_master_node_restoration_indices_mask, W, b):
    del b
    encb = (var_encoding * _LOG2E).astype(jnp.bfloat16)
    tgt = variable_tgt_name_id.astype(jnp.int32)
    wn = var_with_new_name_mask.reshape(_N, 1)
    aux = auxiliary_var_mask.reshape(_N, 1)
    wt = variable_tgt_name_weight.reshape(_N, 1)
    ridx = variable_master_node_restoration_indices.reshape(_B * _M, 1).astype(jnp.int32)
    rmask = variable_master_node_restoration_indices_mask.reshape(_B * _M, 1)

    wt_rows = W.T
    wg = _sc_gather(wt_rows, tgt)

    (s,) = pl.pallas_call(
        _stream_kernel,
        grid=(_NT,),
        in_specs=[
            pl.BlockSpec((_N, _D), lambda i: (0, 0)),
            pl.BlockSpec((_VT, _D), lambda i: (i, 0)),
        ],
        out_specs=[
            pl.BlockSpec((_N, 1), lambda i: (0, 0)),
        ],
        out_shape=[
            jax.ShapeDtypeStruct((_N, 1), jnp.float32),
        ],
        compiler_params=pltpu.CompilerParams(
            dimension_semantics=("arbitrary",)),
    )(encb, wt_rows)

    ast, ren, unch = pl.pallas_call(
        _finalize_kernel,
        out_shape=[
            jax.ShapeDtypeStruct((_B, 1), jnp.float32),
            jax.ShapeDtypeStruct((1, 1), jnp.float32),
            jax.ShapeDtypeStruct((1, 1), jnp.float32),
        ],
    )(s, encb, wg, wn, aux, wt, ridx, rmask)

    return ast.reshape(_B), ren[0, 0], unch[0, 0]

# --- scband reference (transcript-rebuilt; emitter-appended) ---
"""Pipeline reference for scband-renaming-model-89842125898260 (READ-ONLY COPY).

The authoritative reference and input builder live on the scoring server;
editing this copy changes nothing except your own understanding.
"""

import jax, jax.numpy as jnp
import numpy as np

N, D, V, B, M = 1024, 256, 100000, 16, 64

def setup_inputs(seed: int = 0) -> dict:
    key = jax.random.key(seed)
    ks = jax.random.split(key, 10)
    wn = (jax.random.uniform(ks[2], (N,)) > 0.5).astype(jnp.float32)
    aux = 1.0 - wn
    return {
        'var_encoding': jax.random.normal(ks[0], (N, D), dtype=jnp.float32),
        'variable_tgt_name_id': jax.random.randint(ks[1], (N,), 0, V),
        'var_with_new_name_mask': wn,
        'auxiliary_var_mask': aux,
        'variable_tgt_name_weight': jax.random.uniform(ks[4], (N,), dtype=jnp.float32),
        'variable_master_node_restoration_indices': jax.random.randint(ks[5], (B, M), 0, N),
        'variable_master_node_restoration_indices_mask': (jax.random.uniform(ks[6], (B, M)) > 0.2).astype(jnp.float32),
        'W': jax.random.normal(ks[7], (D, V), dtype=jnp.float32) * 0.02,
        'b': jnp.zeros((V,), dtype=jnp.float32),
    }

def reference(var_encoding, variable_tgt_name_id, var_with_new_name_mask, auxiliary_var_mask, variable_tgt_name_weight, variable_master_node_restoration_indices, variable_master_node_restoration_indices_mask, W, b):
    # decoder: linear projection to target vocab + log softmax (SimpleDecoder)
    logits = var_encoding @ W + b
    packed_var_name_log_probs = jax.nn.log_softmax(logits, axis=-1)  # [N, V]
    # gather gold-standard target name log-probs
    packed_tgt_ll = jnp.take_along_axis(
        packed_var_name_log_probs, variable_tgt_name_id[:, None], axis=-1
    ).squeeze(-1)  # [N]
    # no-grad diagnostics
    renamed_var_avg_ll = (packed_tgt_ll * var_with_new_name_mask).sum(-1) / var_with_new_name_mask.sum()
    unchanged_var_avg_ll = (packed_tgt_ll * auxiliary_var_mask).sum(-1) / auxiliary_var_mask.sum()
    rename_ppl = jnp.exp(-renamed_var_avg_ll)
    unchange_ppl = jnp.exp(-unchanged_var_avg_ll)
    # weighted log-likelihood, restored per-AST
    packed_tgt_ll = packed_tgt_ll * variable_tgt_name_weight
    tgt_name_log_probs = packed_tgt_ll[variable_master_node_restoration_indices]  # [B, M]
    tgt_name_log_probs = tgt_name_log_probs * variable_master_node_restoration_indices_mask
    ast_log_probs = tgt_name_log_probs.sum(axis=-1) / variable_master_node_restoration_indices_mask.sum(-1)
    return (ast_log_probs, rename_ppl, unchange_ppl)

if __name__ == "__main__":
    import jax
    _d = setup_inputs()
    print(jax.jit(kernel)(*tuple(_d.values())))

</pallas_src>

<mosaic_0001>
#map = affine_map<(d0, d1) -> (0, 0)>
#map1 = affine_map<(d0, d1) -> (0)>
module attributes {stable_mosaic.version = 14 : i64} {
  func.func @body(%arg0: i32, %arg1: i32, %arg2: memref<100000x256xf32, #tpu.memory_space<hbm>>, %arg3: memref<1024xi32, #tpu.memory_space<hbm>>, %arg4: memref<1024x256xf32, #tpu.memory_space<hbm>>, %arg5: memref<32xi32, #tpu.memory_space<vmem>>, %arg6: memref<32x256xf32, #tpu.memory_space<vmem>>, %arg7: memref<!tpu.dma_semaphore, #tpu.memory_space<semaphore_mem>>) attributes {dimension_semantics = [#tpu.dimension_semantics<core_parallel>, #tpu.dimension_semantics<subcore_parallel>], iteration_bounds = array<i64: 2, 16>, scalar_prefetch = 0 : i64, scratch_operands = 3 : i64, tpu.core_type = #tpu.core_type<sc_vector_subcore>, window_params = [{transform_indices = #map}, {transform_indices = #map1}, {transform_indices = #map}]} {
    %mul3A = arith.constant 2 : i32
    %mul3A_0 = arith.muli %arg1, %mul3A : i32
    %add3A = arith.addi %mul3A_0, %arg0 : i32
    %mul3A_1 = arith.constant 32 : i32
    %mul3A_2 = arith.muli %add3A, %mul3A_1 : i32
    "tpu.region"() ({
      %run_scoped3A = tpu.sem_alloc : memref<!tpu.dma_semaphore, #tpu.memory_space<semaphore_mem>>
      %dma_start3A_7 = tpu.memref_slice %arg3[%mul3A_2] : memref<1024xi32, #tpu.memory_space<hbm>> -> memref<32xi32, #tpu.memory_space<hbm>>
      %dma_start3A_8 = tpu.memref_slice %arg3[%mul3A_2] : memref<1024xi32, #tpu.memory_space<hbm>> -> memref<32xi32, #tpu.memory_space<hbm>>
      tpu.enqueue_dma source(%dma_start3A_8 : memref<32xi32, #tpu.memory_space<hbm>>) target(%arg5 : memref<32xi32, #tpu.memory_space<vmem>>) target_semaphore(%run_scoped3A : memref<!tpu.dma_semaphore, #tpu.memory_space<semaphore_mem>>)
      %dma_wait3A_9 = tpu.memref_slice %arg3[%mul3A_2] : memref<1024xi32, #tpu.memory_space<hbm>> -> memref<32xi32, #tpu.memory_space<hbm>>
      %dma_wait3A_10 = tpu.memref_slice %arg3[%mul3A_2] : memref<1024xi32, #tpu.memory_space<hbm>> -> memref<32xi32, #tpu.memory_space<hbm>>
      tpu.wait_dma2 semaphore(%run_scoped3A : memref<!tpu.dma_semaphore, #tpu.memory_space<semaphore_mem>>) src(%dma_wait3A_10 : memref<32xi32, #tpu.memory_space<hbm>>) dst(%arg5 : memref<32xi32, #tpu.memory_space<vmem>>)
      tpu.yield
    }) : () -> ()
    %dma_start3A = arith.constant 0 : i32
    %dma_start3A_3 = arith.constant 0 : i32
    %dma_start3A_4 = tpu.memref_slice %arg2[%dma_start3A, %dma_start3A_3] : memref<100000x256xf32, #tpu.memory_space<hbm>> -> memref<100000x256xf32, #tpu.memory_space<hbm>>
    tpu.enqueue_indirect_dma source(%dma_start3A_4 : memref<100000x256xf32, #tpu.memory_space<hbm>>) target(%arg6 : memref<32x256xf32, #tpu.memory_space<vmem>>) offsets(%arg5 : memref<32xi32, #tpu.memory_space<vmem>>) semaphore(%arg7 : memref<!tpu.dma_semaphore, #tpu.memory_space<semaphore_mem>>)
    %dma_wait3A = arith.constant 0 : i32
    %dma_wait3A_5 = arith.constant 0 : i32
    %dma_wait3A_6 = tpu.memref_slice %arg2[%dma_wait3A, %dma_wait3A_5] : memref<100000x256xf32, #tpu.memory_space<hbm>> -> memref<100000x256xf32, #tpu.memory_space<hbm>>
    tpu.wait_indirect_dma semaphore(%arg7 : memref<!tpu.dma_semaphore, #tpu.memory_space<semaphore_mem>>) src(%dma_wait3A_6 : memref<100000x256xf32, #tpu.memory_space<hbm>>) dst(%arg6 : memref<32x256xf32, #tpu.memory_space<vmem>>)
    "tpu.region"() ({
      %run_scoped3A = tpu.sem_alloc : memref<!tpu.dma_semaphore, #tpu.memory_space<semaphore_mem>>
      %dma_start3A_7 = arith.constant 0 : i32
      %dma_start3A_8 = tpu.memref_slice %arg4[%mul3A_2, %dma_start3A_7] : memref<1024x256xf32, #tpu.memory_space<hbm>> -> memref<32x256xf32, #tpu.memory_space<hbm>>
      %dma_start3A_9 = arith.constant 0 : i32
      %dma_start3A_10 = tpu.memref_slice %arg4[%mul3A_2, %dma_start3A_9] : memref<1024x256xf32, #tpu.memory_space<hbm>> -> memref<32x256xf32, #tpu.memory_space<hbm>>
      tpu.enqueue_dma source(%arg6 : memref<32x256xf32, #tpu.memory_space<vmem>>) target(%dma_start3A_10 : memref<32x256xf32, #tpu.memory_space<hbm>>) target_semaphore(%run_scoped3A : memref<!tpu.dma_semaphore, #tpu.memory_space<semaphore_mem>>)
      %dma_wait3A_11 = arith.constant 0 : i32
      %dma_wait3A_12 = tpu.memref_slice %arg4[%mul3A_2, %dma_wait3A_11] : memref<1024x256xf32, #tpu.memory_space<hbm>> -> memref<32x256xf32, #tpu.memory_space<hbm>>
      %dma_wait3A_13 = arith.constant 0 : i32
      %dma_wait3A_14 = tpu.memref_slice %arg4[%mul3A_2, %dma_wait3A_13] : memref<1024x256xf32, #tpu.memory_space<hbm>> -> memref<32x256xf32, #tpu.memory_space<hbm>>
      tpu.wait_dma2 semaphore(%run_scoped3A : memref<!tpu.dma_semaphore, #tpu.memory_space<semaphore_mem>>) src(%arg6 : memref<32x256xf32, #tpu.memory_space<vmem>>) dst(%dma_wait3A_14 : memref<32x256xf32, #tpu.memory_space<hbm>>)
      tpu.yield
    }) : () -> ()
    return
  }
}

module attributes {stable_mosaic.version = 14 : i64} {
  func.func @_stream_kernel(%arg0: i32, %arg1: memref<1024x256xbf16, #tpu.memory_space<vmem>>, %arg2: memref<4096x256xf32, #tpu.memory_space<vmem>>, %arg3: memref<1024x1xf32, #tpu.memory_space<vmem>>) attributes {dimension_semantics = [#tpu.dimension_semantics<arbitrary>], iteration_bounds = array<i64: 25>, scalar_prefetch = 0 : i64, scratch_operands = 0 : i64, tpu.core_type = #tpu.core_type<tc>, window_params = [{pipeline_mode = #tpu.pipeline_mode<synchronous>, transform_indices = @transform_0, window_bounds = array<i64: 1024, 256>}, {transform_indices = @transform_1, window_bounds = array<i64: 4096, 256>}, {pipeline_mode = #tpu.pipeline_mode<synchronous>, transform_indices = @transform_2, window_bounds = array<i64: 1024, 1>}]} {
    %eq3A = arith.constant 0 : i32
    %eq3A_0 = arith.cmpi eq, %arg0, %eq3A : i32
    %convert_element_type3A = arith.extui %eq3A_0 : i1 to i32
    %cond3A = arith.constant 0 : i32
    %cond3A_1 = arith.cmpi ne, %convert_element_type3A, %cond3A : i32
    scf.if %cond3A_1 {
      %broadcast_in_dim3A_20 = arith.constant 0.000000e+00 : f32
      %broadcast_in_dim3A_21 = vector.broadcast %broadcast_in_dim3A_20 : f32 to vector<1024x1xf32>
      %swap3A_22 = arith.constant 0 : index
      %swap3A_23 = arith.constant 0 : index
      %swap3A_24 = vector.load %arg3[%swap3A_22, %swap3A_23] : memref<1024x1xf32, #tpu.memory_space<vmem>>, vector<1024x1xf32>
      tpu.vector_store %arg3[%swap3A_22, %swap3A_23], %broadcast_in_dim3A_21 {strides = array<i32>} : memref<1024x1xf32, #tpu.memory_space<vmem>>, vector<1024x1xf32>,
    } else {
    }
    %eq3A_2 = arith.constant 24 : i32
    %eq3A_3 = arith.cmpi eq, %arg0, %eq3A_2 : i32
    %convert_element_type3A_4 = arith.extui %eq3A_3 : i1 to i32
    %cond3A_5 = arith.constant 0 : i32
    %cond3A_6 = arith.cmpi ne, %convert_element_type3A_4, %cond3A_5 : i32
    scf.if %cond3A_6 {
      %broadcast_in_dim3A_20 = arith.constant 0.000000e+00 : f32
      %broadcast_in_dim3A_21 = vector.broadcast %broadcast_in_dim3A_20 : f32 to vector<2400x256xf32>
      %swap3A_22 = arith.constant 1696 : index
      %swap3A_23 = arith.constant 0 : index
      %swap3A_24 = vector.load %arg2[%swap3A_22, %swap3A_23] : memref<4096x256xf32, #tpu.memory_space<vmem>>, vector<2400x256xf32>
      tpu.vector_store %arg2[%swap3A_22, %swap3A_23], %broadcast_in_dim3A_21 {strides = array<i32>} : memref<4096x256xf32, #tpu.memory_space<vmem>>, vector<2400x256xf32>,
    } else {
    }
    %get3A = arith.constant 0 : index
    %get3A_7 = arith.constant 0 : index
    %get3A_8 = vector.load %arg2[%get3A, %get3A_7] : memref<4096x256xf32, #tpu.memory_space<vmem>>, vector<4096x256xf32>
    %convert_element_type3A_9 = arith.truncf %get3A_8 : vector<4096x256xf32> to vector<4096x256xbf16>
    %get3A_10 = arith.constant 0 : index
    %get3A_11 = arith.constant 0 : index
    %get3A_12 = vector.load %arg1[%get3A_10, %get3A_11] : memref<1024x256xbf16, #tpu.memory_space<vmem>>, vector<1024x256xbf16>
    %dot_general3A = arith.constant dense<0.000000e+00> : vector<1024x4096xf32>
    %dot_general3A_13 = tpu.matmul %get3A_12, %convert_element_type3A_9, %dot_general3A {dimension_numbers = #tpu.dot_dimension_numbers<[1], [1], [0], [0], [0, 0, 1, 0], [], []>, transpose_lhs_hint = false} : vector<1024x256xbf16>, vector<4096x256xbf16>, vector<1024x4096xf32> -> vector<1024x4096xf32>
    %get3A_14 = arith.constant 0 : index
    %get3A_15 = arith.constant 0 : index
    %get3A_16 = vector.load %arg3[%get3A_14, %get3A_15] : memref<1024x1xf32, #tpu.memory_space<vmem>>, vector<1024x1xf32>
    %exp23A = math.exp2 %dot_general3A_13 : vector<1024x4096xf32>
    %reduce_sum3A = arith.constant dense<0.000000e+00> : vector<1024xf32>
    %reduce_sum3A_17 = vector.multi_reduction <add>, %exp23A, %reduce_sum3A [1] : vector<1024x4096xf32> to vector<1024xf32>
    %broadcast_in_dim3A = vector.shape_cast %reduce_sum3A_17 : vector<1024xf32> to vector<1024x1xf32>
    %add3A = arith.addf %get3A_16, %broadcast_in_dim3A : vector<1024x1xf32>
    %swap3A = arith.constant 0 : index
    %swap3A_18 = arith.constant 0 : index
    %swap3A_19 = vector.load %arg3[%swap3A, %swap3A_18] : memref<1024x1xf32, #tpu.memory_space<vmem>>, vector<1024x1xf32>
    tpu.vector_store %arg3[%swap3A, %swap3A_18], %add3A {strides = array<i32>} : memref<1024x1xf32, #tpu.memory_space<vmem>>, vector<1024x1xf32>,
    return
  }
  func.func @transform_0(%arg0: i32) -> (i32, i32) {
    %c0_i32 = arith.constant 0 : i32
    %c0_i32_0 = arith.constant 0 : i32
    %c0_i32_1 = arith.constant 0 : i32
    return %c0_i32, %c0_i32_0 : i32, i32
  }
  func.func @transform_1(%arg0: i32) -> (i32, i32) {
    %c0_i32 = arith.constant 0 : i32
    %c0_i32_0 = arith.constant 0 : i32
    return %arg0, %c0_i32 : i32, i32
  }
  func.func @transform_2(%arg0: i32) -> (i32, i32) {
    %c0_i32 = arith.constant 0 : i32
    %c0_i32_0 = arith.constant 0 : i32
    %c0_i32_1 = arith.constant 0 : i32
    return %c0_i32, %c0_i32_0 : i32, i32
  }
}

module attributes {stable_mosaic.version = 14 : i64} {
  func.func @_finalize_kernel(%arg0: memref<1024x1xf32, #tpu.memory_space<vmem>>, %arg1: memref<1024x256xbf16, #tpu.memory_space<vmem>>, %arg2: memref<1024x256xf32, #tpu.memory_space<vmem>>, %arg3: memref<1024x1xf32, #tpu.memory_space<vmem>>, %arg4: memref<1024x1xf32, #tpu.memory_space<vmem>>, %arg5: memref<1024x1xf32, #tpu.memory_space<vmem>>, %arg6: memref<1024x1xi32, #tpu.memory_space<vmem>>, %arg7: memref<1024x1xf32, #tpu.memory_space<vmem>>, %arg8: memref<16x1xf32, #tpu.memory_space<vmem>>, %arg9: memref<1x1xf32, #tpu.memory_space<vmem>>, %arg10: memref<1x1xf32, #tpu.memory_space<vmem>>) attributes {dimension_semantics = [], scalar_prefetch = 0 : i64, scratch_operands = 0 : i64, tpu.core_type = #tpu.core_type<tc>} {
    %get3A = arith.constant 0 : index
    %get3A_0 = arith.constant 0 : index
    %get3A_1 = vector.load %arg2[%get3A, %get3A_0] : memref<1024x256xf32, #tpu.memory_space<vmem>>, vector<1024x256xf32>
    %convert_element_type3A = arith.truncf %get3A_1 : vector<1024x256xf32> to vector<1024x256xbf16>
    %convert_element_type3A_2 = arith.extf %convert_element_type3A : vector<1024x256xbf16> to vector<1024x256xf32>
    %get3A_3 = arith.constant 0 : index
    %get3A_4 = arith.constant 0 : index
    %get3A_5 = vector.load %arg1[%get3A_3, %get3A_4] : memref<1024x256xbf16, #tpu.memory_space<vmem>>, vector<1024x256xbf16>
    %convert_element_type3A_6 = arith.extf %get3A_5 : vector<1024x256xbf16> to vector<1024x256xf32>
    %mul3A = arith.mulf %convert_element_type3A_6, %convert_element_type3A_2 : vector<1024x256xf32>
    %reduce_sum3A = arith.constant dense<0.000000e+00> : vector<1024xf32>
    %reduce_sum3A_7 = vector.multi_reduction <add>, %mul3A, %reduce_sum3A [1] : vector<1024x256xf32> to vector<1024xf32>
    %broadcast_in_dim3A = vector.shape_cast %reduce_sum3A_7 : vector<1024xf32> to vector<1024x1xf32>
    %get3A_8 = arith.constant 0 : index
    %get3A_9 = arith.constant 0 : index
    %get3A_10 = vector.load %arg0[%get3A_8, %get3A_9] : memref<1024x1xf32, #tpu.memory_space<vmem>>, vector<1024x1xf32>
    %sub3A = arith.constant 2.400000e+03 : f32
    %sub3A_11 = vector.broadcast %sub3A : f32 to vector<1024x1xf32>
    %sub3A_12 = arith.subf %get3A_10, %sub3A_11 : vector<1024x1xf32>
    %mul3A_13 = arith.constant 0.693147182 : f32
    %mul3A_14 = vector.broadcast %mul3A_13 : f32 to vector<1024x1xf32>
    %mul3A_15 = arith.mulf %broadcast_in_dim3A, %mul3A_14 : vector<1024x1xf32>
    %log3A = math.log %sub3A_12 : vector<1024x1xf32>
    %sub3A_16 = arith.subf %mul3A_15, %log3A : vector<1024x1xf32>
    %get3A_17 = arith.constant 0 : index
    %get3A_18 = arith.constant 0 : index
    %get3A_19 = vector.load %arg3[%get3A_17, %get3A_18] : memref<1024x1xf32, #tpu.memory_space<vmem>>, vector<1024x1xf32>
    %get3A_20 = arith.constant 0 : index
    %get3A_21 = arith.constant 0 : index
    %get3A_22 = vector.load %arg4[%get3A_20, %get3A_21] : memref<1024x1xf32, #tpu.memory_space<vmem>>, vector<1024x1xf32>
    %mul3A_23 = arith.mulf %sub3A_16, %get3A_19 : vector<1024x1xf32>
    %reduce_sum3A_24 = vector.shape_cast %mul3A_23 : vector<1024x1xf32> to vector<1x1024x1xf32>
    %reduce_sum3A_25 = arith.constant dense<0.000000e+00> : vector<1xf32>
    %reduce_sum3A_26 = vector.multi_reduction <add>, %reduce_sum3A_24, %reduce_sum3A_25 [1, 2] : vector<1x1024x1xf32> to vector<1xf32>
    %reduce_sum3A_27 = vector.shape_cast %reduce_sum3A_26 : vector<1xf32> to vector<1x1x1xf32>
    %reduce_sum3A_28 = vector.extract %reduce_sum3A_27[0, 0, 0] : f32 from vector<1x1x1xf32>
    %reduce_sum3A_29 = vector.shape_cast %get3A_19 : vector<1024x1xf32> to vector<1x1024x1xf32>
    %reduce_sum3A_30 = arith.constant dense<0.000000e+00> : vector<1xf32>
    %reduce_sum3A_31 = vector.multi_reduction <add>, %reduce_sum3A_29, %reduce_sum3A_30 [1, 2] : vector<1x1024x1xf32> to vector<1xf32>
    %reduce_sum3A_32 = vector.shape_cast %reduce_sum3A_31 : vector<1xf32> to vector<1x1x1xf32>
    %reduce_sum3A_33 = vector.extract %reduce_sum3A_32[0, 0, 0] : f32 from vector<1x1x1xf32>
    %div3A = arith.divf %reduce_sum3A_28, %reduce_sum3A_33 : f32
    %mul3A_34 = arith.mulf %sub3A_16, %get3A_22 : vector<1024x1xf32>
    %reduce_sum3A_35 = vector.shape_cast %mul3A_34 : vector<1024x1xf32> to vector<1x1024x1xf32>
    %reduce_sum3A_36 = arith.constant dense<0.000000e+00> : vector<1xf32>
    %reduce_sum3A_37 = vector.multi_reduction <add>, %reduce_sum3A_35, %reduce_sum3A_36 [1, 2] : vector<1x1024x1xf32> to vector<1xf32>
    %reduce_sum3A_38 = vector.shape_cast %reduce_sum3A_37 : vector<1xf32> to vector<1x1x1xf32>
    %reduce_sum3A_39 = vector.extract %reduce_sum3A_38[0, 0, 0] : f32 from vector<1x1x1xf32>
    %reduce_sum3A_40 = vector.shape_cast %get3A_22 : vector<1024x1xf32> to vector<1x1024x1xf32>
    %reduce_sum3A_41 = arith.constant dense<0.000000e+00> : vector<1xf32>
    %reduce_sum3A_42 = vector.multi_reduction <add>, %reduce_sum3A_40, %reduce_sum3A_41 [1, 2] : vector<1x1024x1xf32> to vector<1xf32>
    %reduce_sum3A_43 = vector.shape_cast %reduce_sum3A_42 : vector<1xf32> to vector<1x1x1xf32>
    %reduce_sum3A_44 = vector.extract %reduce_sum3A_43[0, 0, 0] : f32 from vector<1x1x1xf32>
    %div3A_45 = arith.divf %reduce_sum3A_39, %reduce_sum3A_44 : f32
    %neg3A = arith.constant 0.000000e+00 : f32
    %neg3A_46 = arith.subf %neg3A, %div3A : f32
    %exp3A = math.exp %neg3A_46 : f32
    %broadcast_in_dim3A_47 = vector.broadcast %exp3A : f32 to vector<1x1xf32>
    %swap3A = arith.constant 0 : index
    %swap3A_48 = arith.constant 0 : index
    %swap3A_49 = vector.load %arg9[%swap3A, %swap3A_48] : memref<1x1xf32, #tpu.memory_space<vmem>>, vector<1x1xf32>
    tpu.vector_store %arg9[%swap3A, %swap3A_48], %broadcast_in_dim3A_47 {strides = array<i32>} : memref<1x1xf32, #tpu.memory_space<vmem>>, vector<1x1xf32>,
    %neg3A_50 = arith.constant 0.000000e+00 : f32
    %neg3A_51 = arith.subf %neg3A_50, %div3A_45 : f32
    %exp3A_52 = math.exp %neg3A_51 : f32
    %broadcast_in_dim3A_53 = vector.broadcast %exp3A_52 : f32 to vector<1x1xf32>
    %swap3A_54 = arith.constant 0 : index
    %swap3A_55 = arith.constant 0 : index
    %swap3A_56 = vector.load %arg10[%swap3A_54, %swap3A_55] : memref<1x1xf32, #tpu.memory_space<vmem>>, vector<1x1xf32>
    tpu.vector_store %arg10[%swap3A_54, %swap3A_55], %broadcast_in_dim3A_53 {strides = array<i32>} : memref<1x1xf32, #tpu.memory_space<vmem>>, vector<1x1xf32>,
    %get3A_57 = arith.constant 0 : index
    %get3A_58 = arith.constant 0 : index
    %get3A_59 = vector.load %arg5[%get3A_57, %get3A_58] : memref<1024x1xf32, #tpu.memory_space<vmem>>, vector<1024x1xf32>
    %mul3A_60 = arith.mulf %sub3A_16, %get3A_59 : vector<1024x1xf32>
    %iota3A = tpu.iota {dimensions = array<i32: 1>} : vector<1024x1024xi32>
    %get3A_61 = arith.constant 0 : index
    %get3A_62 = arith.constant 0 : index
    %get3A_63 = vector.load %arg6[%get3A_61, %get3A_62] : memref<1024x1xi32, #tpu.memory_space<vmem>>, vector<1024x1xi32>
    %eq3A = vector.broadcast %get3A_63 : vector<1024x1xi32> to vector<1024x1024xi32>
    %eq3A_64 = arith.cmpi eq, %iota3A, %eq3A : vector<1024x1024xi32>
    %convert_element_type3A_65 = arith.extui %eq3A_64 : vector<1024x1024xi1> to vector<1024x1024xi32>
    %convert_element_type3A_66 = arith.sitofp %convert_element_type3A_65 : vector<1024x1024xi32> to vector<1024x1024xf32>
    %dot_general3A = arith.constant dense<0.000000e+00> : vector<1024x1xf32>
    %dot_general3A_67 = tpu.matmul %convert_element_type3A_66, %mul3A_60, %dot_general3A {dimension_numbers = #tpu.dot_dimension_numbers<[1], [0], [0], [1], [0, 0, 1, 1], [], []>, transpose_lhs_hint = false} : vector<1024x1024xf32>, vector<1024x1xf32>, vector<1024x1xf32> -> vector<1024x1xf32>
    %get3A_68 = arith.constant 0 : index
    %get3A_69 = arith.constant 0 : index
    %get3A_70 = vector.load %arg7[%get3A_68, %get3A_69] : memref<1024x1xf32, #tpu.memory_space<vmem>>, vector<1024x1xf32>
    %mul3A_71 = arith.mulf %dot_general3A_67, %get3A_70 : vector<1024x1xf32>
    %iota3A_72 = tpu.iota {dimensions = array<i32: 1>} : vector<16x1024xi32>
    %iota3A_73 = tpu.iota {dimensions = array<i32: 0>} : vector<16x1024xi32>
    %jit3A = arith.constant 64 : i32
    %div3A_74 = vector.broadcast %jit3A : i32 to vector<16x1024xi32>
    %div3A_75 = arith.divsi %iota3A_72, %div3A_74 : vector<16x1024xi32>
    %sign3A = arith.constant 0 : i32
    %sign3A_76 = vector.broadcast %sign3A : i32 to vector<16x1024xi32>
    %sign3A_77 = arith.cmpi sgt, %iota3A_72, %sign3A_76 : vector<16x1024xi32>
    %sign3A_78 = arith.extui %sign3A_77 : vector<16x1024xi1> to vector<16x1024xi32>
    %sign3A_79 = arith.constant 0 : i32
    %sign3A_80 = vector.broadcast %sign3A_79 : i32 to vector<16x1024xi32>
    %sign3A_81 = arith.cmpi slt, %iota3A_72, %sign3A_80 : vector<16x1024xi32>
    %sign3A_82 = arith.extui %sign3A_81 : vector<16x1024xi1> to vector<16x1024xi32>
    %sign3A_83 = arith.subi %sign3A_78, %sign3A_82 : vector<16x1024xi32>
    %sign3A_84 = arith.constant 0 : i32
    %sign3A_85 = arith.cmpi sgt, %jit3A, %sign3A_84 : i32
    %sign3A_86 = arith.extui %sign3A_85 : i1 to i32
    %sign3A_87 = arith.constant 0 : i32
    %sign3A_88 = arith.cmpi slt, %jit3A, %sign3A_87 : i32
    %sign3A_89 = arith.extui %sign3A_88 : i1 to i32
    %sign3A_90 = arith.subi %sign3A_86, %sign3A_89 : i32
    %ne3A = vector.broadcast %sign3A_90 : i32 to vector<16x1024xi32>
    %ne3A_91 = arith.cmpi ne, %sign3A_83, %ne3A : vector<16x1024xi32>
    %rem3A = vector.broadcast %jit3A : i32 to vector<16x1024xi32>
    %rem3A_92 = arith.remsi %iota3A_72, %rem3A : vector<16x1024xi32>
    %ne3A_93 = arith.constant 0 : i32
    %ne3A_94 = vector.broadcast %ne3A_93 : i32 to vector<16x1024xi32>
    %ne3A_95 = arith.cmpi ne, %rem3A_92, %ne3A_94 : vector<16x1024xi32>
    %and3A = arith.andi %ne3A_91, %ne3A_95 : vector<16x1024xi1>
    %sub3A_96 = arith.constant 1 : i32
    %sub3A_97 = vector.broadcast %sub3A_96 : i32 to vector<16x1024xi32>
    %sub3A_98 = arith.subi %div3A_75, %sub3A_97 : vector<16x1024xi32>
    %select_n3A = arith.select %and3A, %sub3A_98, %div3A_75 : vector<16x1024xi1>, vector<16x1024xi32>
    %eq3A_99 = arith.cmpi eq, %select_n3A, %iota3A_73 : vector<16x1024xi32>
    %convert_element_type3A_100 = arith.extui %eq3A_99 : vector<16x1024xi1> to vector<16x1024xi32>
    %convert_element_type3A_101 = arith.sitofp %convert_element_type3A_100 : vector<16x1024xi32> to vector<16x1024xf32>
    %dot_general3A_102 = arith.constant dense<0.000000e+00> : vector<16x1xf32>
    %dot_general3A_103 = tpu.matmul %convert_element_type3A_101, %mul3A_71, %dot_general3A_102 {dimension_numbers = #tpu.dot_dimension_numbers<[1], [0], [0], [1], [0, 0, 1, 1], [], []>, transpose_lhs_hint = false} : vector<16x1024xf32>, vector<1024x1xf32>, vector<16x1xf32> -> vector<16x1xf32>
    %get3A_104 = arith.constant 0 : index
    %get3A_105 = arith.constant 0 : index
    %get3A_106 = vector.load %arg7[%get3A_104, %get3A_105] : memref<1024x1xf32, #tpu.memory_space<vmem>>, vector<1024x1xf32>
    %dot_general3A_107 = arith.constant dense<0.000000e+00> : vector<16x1xf32>
    %dot_general3A_108 = tpu.matmul %convert_element_type3A_101, %get3A_106, %dot_general3A_107 {dimension_numbers = #tpu.dot_dimension_numbers<[1], [0], [0], [1], [0, 0, 1, 1], [], []>, transpose_lhs_hint = false} : vector<16x1024xf32>, vector<1024x1xf32>, vector<16x1xf32> -> vector<16x1xf32>
    %div3A_109 = arith.divf %dot_general3A_103, %dot_general3A_108 : vector<16x1xf32>
    %swap3A_110 = arith.constant 0 : index
    %swap3A_111 = arith.constant 0 : index
    %swap3A_112 = vector.load %arg8[%swap3A_110, %swap3A_111] : memref<16x1xf32, #tpu.memory_space<vmem>>, vector<16x1xf32>
    tpu.vector_store %arg8[%swap3A_110, %swap3A_111], %div3A_109 {strides = array<i32>} : memref<16x1xf32, #tpu.memory_space<vmem>>, vector<16x1xf32>,
    return
  }
}

</mosaic_0001>

<sc_bundles>
// kernel: kernel.5.cloned.1.call-start
scs
__scs_entry_jumppad:
0x0: {  	(pc) =	sbr.rel $0x88, $3  }
0x1: {  	(tag) =	ssettag $0x0;
	lr =	simm.s32 $0x1  }
0x2: {  	[smem:$0x3F99] =	sst lr;
	_ =	strace $0xD0000000  }
0x3: {  	_ = 	snop  }
0x4: {  	_ = 	snop  }
0x5: {  	_ = 	snop  }
0x6: {  	_ = 	snop  }
0x7: {  	_ = 	snop  }
__scs_overlays_trampoline_lowered:
0x8: {  	[smem:$0x3FA8] =	sst s0  }
0x9: {  	[smem:$0x3FA9] =	sst s1  }
0xa: {  	[smem:$0x3FAA] =	sst s2  }
0xb: {  	[smem:$0x3FAB] =	sst s3  }
0xc: {  	[smem:$0x3FAC] =	sst s4  }
0xd: {  	[smem:$0x3FAD] =	sst s5  }
0xe: {  	[smem:$0x3FAE] =	sst s6  }
0xf: {  	[smem:$0x3FAF] =	sst s7  }
0x10: {  	[smem:$0x3FB0] =	sst s8  }
0x11: {  	[smem:$0x3FB1] =	sst s9;
	s0 =	simm.s32 @!p0 $0x0  }
0x12: {  	s1 =	sld [smem:$0x3F97];
	s0 =	simm.s32 @p0 $0x1  }
0x13: {  	[smem:$0x3FB2] =	sst s0;
	s0 =	simm.s32 @!p1 $0x0  }
0x14: {  	s2 =	sld [smem:$0x3F96];
	s0 =	simm.s32 @p1 $0x1  }
0x15: {  	[smem:$0x3FB3] =	sst s0;
	s0 =	simm.s32 @!p2 $0x0  }
0x16: {  	s3 =	sld [smem:$0x3FDB];
	s0 =	simm.s32 @p2 $0x1  }
0x17: {  	s4 =	simm.s32 $0x1BF5;
	[smem:$0x3FB5] =	sst s0  }
0x18: {  	s0 =	sld [smem:$0x3F98];
	_ =	swait.ge [sflag:s4], $0x0  }
0x19: {  	s7 =	sld [smem:$0x3F99]  }
0x1a: {  	s8 =	sadd.s32 $0xFFFFE003, lr  }
0x1b: {  	s9 =	sadd.s32 $0xFFFFFEF7, lr;
	s5 =	simm.s32 $0xFFFFFFFF;
	p2 =	slt.u32 s8, $0xFFFFF086  }
0x1c: {  	p1 =	slt.u32 s9, $0xF7A;
	s5 =	simm.s32 @!p2 $0x0  }
0x1d: {  	s5 =	simm.s32 @p1 $0x1;
	p0 =	seq.s32 s7, s2  }
0x1e: {  	s7 =	smul.u32 @!p0 $0xF7A, s2;
	p2 =	seq.s32 @!p0 s5, $0x0  }
0x1f: {  	s9 =	smul.u32 $0xF7A, s1;
	s8 =	simm.s32 @!p0 $0x1BF5;
	p2 =	por !p2, p0  }
0x20: {  	[sflag:s8] =	ssyncset.s32 @!p0 $0xFFFFF086;
	s6 =	sadd.s32 @!p0 s3, s7;
	s7 =	simm.s32 @!p0 $0x108  }
0x21: {  	s3 =	sadd.s32 s3, s9;
	s6 =	sadd.s32 @!p0 $0x88, s6;
	s7 =	simm.s32 @p2 $0x1082  }
0x22: {  	[simem:s7], [sflag:s8] =	dma.local @!p0 [hbm:s6], $0xF7A  }
0x23: {  	s9 =	sor.u32 $0xD0000000, s2;
	s6 =	simm.s32 $0x108;
	_ =	swait.ge @!p0 [sflag:s8], $0x0  }
0x24: {  	s3 =	sadd.s32 $0x88, s3;
	s6 =	simm.s32 @!p1 $0x1082;
	[sflag:s4] =	ssyncset.s32 $0xFFFFF086  }
0x25: {  	[simem:s6], [sflag:s4] =	dma.local [hbm:s3], $0xF7A  }
0x26: {  	[smem:$0x3F99] =	sst s1;
	(tag) =	ssettag s2;
	_ =	strace s9  }
0x27: {  	s1 =	sld [smem:$0x3FA9]  }
0x28: {  	s2 =	sld [smem:$0x3FAA]  }
0x29: {  	s4 =	sld [smem:$0x3FAC]  }
0x2a: {  	p0 =	seq.s32 s5, $0x0;
	s5 =	sld [smem:$0x3FAD]  }
0x2b: {  	s6 =	sld [smem:$0x3FAE]  }
0x2c: {  	s7 =	sld [smem:$0x3FAF]  }
0x2d: {  	s3 =	simm.s32 $0x108;
	s8 =	sld [smem:$0x3FB0]  }
0x2e: {  	s3 =	simm.s32 @!p0 $0x1082;
	s9 =	sld [smem:$0x3FB1]  }
0x2f: {  	lr =	sadd.s32 s0, s3;
	s0 =	sld [smem:$0x3FA8]  }
0x30: {  	s3 =	sld [smem:$0x3FAB]  }
0x31: {  	[smem:$0x3FB4] =	sst s10  }
0x32: {  	s10 =	sld [smem:$0x3FB2];
	_ =	sdelay $0x3  }
0x33: {  	p0 =	seq.s32 s10, $0x1;
	s10 =	sld [smem:$0x3FB4];
	_ =	sdelay $0x3  }
0x34: {  	[smem:$0x3FB4] =	sst s10  }
0x35: {  	s10 =	sld [smem:$0x3FB3];
	_ =	sdelay $0x3  }
0x36: {  	p1 =	seq.s32 s10, $0x1;
	s10 =	sld [smem:$0x3FB4];
	_ =	sdelay $0x3  }
0x37: {  	[smem:$0x3FB4] =	sst s10  }
0x38: {  	s10 =	sld [smem:$0x3FB5]  }
0x39: {  	_ = 	snop;
	(pc) =	sbr.ind lr, $3  }
0x3a: {  	_ = 	snop  }
0x3b: {  	_ = 	snop  }
0x3c: {  	p2 =	seq.s32 s10, $0x1;
	s10 =	sld [smem:$0x3FB4]  }
0x3d: {  	_ =	shalt  }
0x3e: {  	_ =	shalt  }
0x3f: {  	_ =	shalt  }
0x40: {  	_ =	shalt  }
0x41: {  	_ =	shalt  }
0x42: {  	_ =	shalt  }
0x43: {  	_ =	shalt  }
0x44: {  	_ =	shalt  }
0x45: {  	_ =	shalt  }
0x46: {  	_ =	shalt  }
0x47: {  	_ =	shalt  }
0x48: {  	_ =	shalt  }
0x49: {  	_ =	shalt  }
0x4a: {  	_ =	shalt  }
0x4b: {  	_ =	shalt  }
0x4c: {  	_ =	shalt  }
0x4d: {  	_ =	shalt  }
0x4e: {  	_ =	shalt  }
0x4f: {  	_ =	shalt  }
0x50: {  	_ =	shalt  }
0x51: {  	_ =	shalt  }
0x52: {  	_ =	shalt  }
0x53: {  	_ =	shalt  }
0x54: {  	_ =	shalt  }
0x55: {  	_ =	shalt  }
0x56: {  	_ =	shalt  }
0x57: {  	_ =	shalt  }
0x58: {  	_ =	shalt  }
0x59: {  	_ =	shalt  }
0x5a: {  	_ =	shalt  }
0x5b: {  	_ =	shalt  }
0x5c: {  	_ =	shalt  }
0x5d: {  	_ =	shalt  }
0x5e: {  	_ =	shalt  }
0x5f: {  	_ =	shalt  }
0x60: {  	_ =	shalt  }
0x61: {  	_ =	shalt  }
0x62: {  	_ =	shalt  }
0x63: {  	_ =	shalt  }
0x64: {  	_ =	shalt  }
0x65: {  	_ =	shalt  }
0x66: {  	_ =	shalt  }
0x67: {  	_ =	shalt  }
0x68: {  	_ =	shalt  }
0x69: {  	_ =	shalt  }
0x6a: {  	_ =	shalt  }
0x6b: {  	_ =	shalt  }
0x6c: {  	_ =	shalt  }
0x6d: {  	_ =	shalt  }
0x6e: {  	_ =	shalt  }
0x6f: {  	_ =	shalt  }
0x70: {  	_ =	shalt  }
0x71: {  	_ =	shalt  }
0x72: {  	_ =	shalt  }
0x73: {  	_ =	shalt  }
0x74: {  	_ =	shalt  }
0x75: {  	_ =	shalt  }
0x76: {  	_ =	shalt  }
0x77: {  	_ =	shalt  }
0x78: {  	_ =	shalt  }
0x79: {  	_ =	shalt  }
0x7a: {  	_ =	shalt  }
0x7b: {  	_ =	shalt  }
0x7c: {  	_ =	shalt  }
0x7d: {  	_ =	shalt  }
0x7e: {  	_ =	shalt  }
0x7f: {  	_ =	shalt  }
0x80: {  	_ =	shalt  }
0x81: {  	_ =	shalt  }
0x82: {  	_ =	shalt  }
0x83: {  	_ =	shalt  }
0x84: {  	_ =	shalt  }
0x85: {  	_ =	shalt  }
0x86: {  	_ =	shalt  }
0x87: {  	_ =	shalt  }
.Lfunc_end0:
.L_simem_size_0:
called_computation_lowered:
.L_overlay_start_0:
0x88: {  	s2 =	sld [smem:$0x3FD9]  }
0x89: {  	s3 =	sld [smem:$0x3FFE];
	_ =	sdelay $0x1  }
0x8a: {  	s1 =	srdreg.scid  }
0x8b: {  	s0 =	sand.u32 $0x1, s1  }
0x8c: {  	s17 =	sshll.u32 s0, $0xA;
	s2 =	sadd.s32 s3, s2  }
0x8d: {  	s2 =	sadd.s32 s2, s17  }
0x8e: {  	[smem:$0x3FC0] =	sst s2  }
0x8f: {  	_ = 	snop  }
0x90: {  	s2 =	sld [smem:$0x3FC8]  }
0x91: {  	s18 =	sld [smem:$0x3FC2];
	(tm) =	ssettm $0x1  }
0x92: {  	s4 =	sld [smem:$0x3FFB];
	_ =	sdelay $0x3  }
0x93: {  	_ =	strace s4  }
0x94: {  	s4 =	sld [smem:$0x3FFC];
	_ =	sdelay $0x3  }
0x95: {  	_ =	strace s4  }
0x96: {  	s4 =	sld [smem:$0x3FFD];
	_ =	sdelay $0x3  }
0x97: {  	_ =	strace s4  }
0x98: {  	_ =	strace $0x8FFFFFFF  }
0x99: {  	s19 =	sld [smem:$0x3FDB];
	_ =	sdelay $0x1  }
0x9a: {  	s5 =	simm.s32 $_scs_section_size  }
0x9b: {  	s6 =	simm.s32 $_size__tile_overlayer_lowered;
	s7 =	simm.s32 $_tile_overlayer_lowered  }
0x9c: {  	s22 =	simm.s32 $0x1BFF;
	s21 =	sshll.u32 s7, $0x1;
	s4 =	sadd.s32 s5, s19  }
0x9d: {  	s8 =	simm.s32 $0x0;
	s20 =	sshll.u32 s6, $0x1;
	s6 =	sadd.s32 s21, s4  }
0x9e: {  	[timem:s8], [sflag:s22] =	dma.local [hbm:s6], s20  }
0x9f: {  	_ =	swait.ge [sflag:s22], s20  }
0xa0: {  	s5 =	ssub.s32 $0x0, s20;
	[sflag:s22] =	ssyncset.done $0x0  }
0xa1: {  	[sflag:s22] =	ssyncadd.s32 s5;
	_ =	sdelay $0x1  }
0xa2: {  	s23 =	simm.s32 $0x1B8B  }
0xa3: {  	_ =	swait.ge [sflag:s23], $0x1  }
0xa4: {  	[sflag:s23] =	ssyncset.done $0x0  }
0xa5: {  	s25 =	simm.s32 $0x1B8E;
	s24 =	sld [smem:$0x3FFE];
	[sflag:s23] =	ssyncadd.s32 $0xFFFFFFFF  }
0xa6: {  	s26 =	simm.s32 $execute0_lowered;
	[smem:$0x3FD2] =	sst s25  }
0xa7: {  	s6 =	sshll.u32 s26, $0x1;
	_ =	strace $0x80000046;
	[dreg:$0x1] =	wrdreg $0xFFFFFFFF  }
0xa8: {  	s28 =	simm.s32 $_size_execute0_lowered;
	s4 =	sadd.s32 s4, s6;
	[dreg:$0x0] =	wrdreg $0x0  }
0xa9: {  	s6 =	sshll.u32 s28, $0x1;
	[dreg:$0x2] =	wrdreg s4  }
0xaa: {  	[dreg:$0x3] =	wrdreg s6  }
0xab: {  	[dreg:$0x4] =	wrdreg $0xC0  }
0xac: {  	_ =	task [dreg:s8], $0x5FFFF  }
0xad: {  	[dreg:$0x1] =	wrdreg $0xFFFFFFFF  }
0xae: {  	[dreg:$0x0] =	wrdreg $0x60  }
0xaf: {  	[dreg:$0x2] =	wrdreg s18  }
0xb0: {  	[dreg:$0x3] =	wrdreg s2  }
0xb1: {  	[dreg:$0x4] =	wrdreg s24  }
0xb2: {  	[dreg:$0x5] =	wrdreg $0x9  }
0xb3: {  	_ =	task.clear_ibuf [dreg:s8], $0x6FFFF;
	_ =	strace $0x90000046  }
0xb4: {  	s29 =	simm.s32 $0x9;
	_ =	strace $0x80000048  }
0xb5: {  	_ =	swait.ge [sflag:s29], $0x1  }
0xb6: {  	[sflag:s29] =	ssyncadd.s32 $0xFFFFFFFF  }
0xb7: {  	_ =	strace $0x90000048  }
0xb8: {  	_ =	sfence  }
0xb9: {  	s30 =	sld [smem:$0x0];
	_ =	sdelay $0x2  }
0xba: {  	s31 =	sshll.u32 s1, $0xD;
	s1 =	sshrl.u32 s1, $0x2  }
0xbb: {  	s3 =	sand.u32 $0x4000, s31;
	s1 =	sadd.s32 s1, s30  }
0xbc: {  	s0 =	sor.u32 s3, s0;
	s1 =	sshll.u32 s1, $0x11  }
0xbd: {  	s0 =	sor.u32 s1, s0  }
0xbe: {  	s0 =	sadd.s32 $0x8F2B, s0  }
0xbf: {  	[sflag:s0] =	ssyncadd.remote.s32 $0x1  }
0xc0: {  	_ =	sfence.sel $0xFFFF  }
0xc1: {  	[dreg:$0x0] =	wrdreg $0xFFFFFFFF;
	(pc) =	sbr.abs _section_cstart, $3  }
0xc2: {  	[dreg:$0x1] =	wrdreg $0xFFFFFFFF  }
0xc3: {  	_ =	task.clear_ibuf [dreg:s8], $0x2FFFF;
	_ =	strace $0x9FFFFFFF  }
0xc4: {  	(tm) =	ssettm $0x7FFFFFFF  }
0xc5: {  	_ =	shalt  }
tec
execute0_lowered:
.L_overlay_start_1:
0x0: {  	(tag) =	ssettag $0x1  }
0x1: {  	s1 =	rddreg [dreg:$0x0]  }
0x2: {  	s4 =	rddreg [dreg:$0x1]  }
0x3: {  	s5 =	rddreg [dreg:$0x2];
	s3 =	srdreg.scid  }
0x4: {  	s0 =	rddreg [dreg:$0x3];
	s2 =	stileid.u32;
	s10 =	simm.s32 $0x1080  }
0x5: {  	s11 =	simm.s32 $0x1880;
	s12 =	simm.s32 $0x1;
	s6 =	sand.u32 $0x1, s3  }
0x6: {  	s3 =	simm.s32 $0x0;
	s7 =	sshll.u32 s2, $0x6;
	s8 =	sshll.u32 s6, $0x5  }
0x7: {  	[smem:$0x7FF] =	sst s3;
	s6 =	ssub.s32 $0x2, s6;
	s7 =	sor.u32 s8, s7  }
0x8: {  	_ =	strace $0x80000047;
	s9 =	sshrl.u32 s6, $0x1;
	s8 =	sshll.u32 s7, $0x5  }
0x9: {  	v2 =	vlaneseq.u32;
	s6 =	ssub.s32 s6, s9;
	s7 =	sshrl.u32 s7, $0x3;
	s9 =	simm.s32 $0x880  }
0xa: {  	vm0 =	vmmov $0xffff;
	v1 =	vshrl.u32 v2, $0x3;
	s5 =	sadd.s32 s8, s5;
	s4 =	sadd.s32 s4, s7;
	s6 =	smax.u32 s6, $0x1  }
0xb: {  	v0 =	vand.u32 $0x7, v2;
	v2 =	vor.u32 $0x8, v2;
	v1 =	vmul.u32 $0x8, v1;
	s7 =	simm.s32 $0x2;
	s8 =	simm.s32 $0x80;
	s5 =	sadd.s32 $0x1000, s5  }
.LBB2_1:
0xc: {  	[tilespmem:s3], [sflag:$0x2] =	stream.linear.gather [hbm4b:s4+s3], $0x20, $0x38;
	[tilespmem:$0x2080] =	vst v63  }
0xd: {  	_ =	swait.ge [sflag:s7], $0x20  }
0xe: {  	[sflag:s7] =	ssyncset.done $0x0  }
0xf: {  	[sflag:s7] =	ssyncadd.s32 $0xFFFFFFE0  }
0x10: {  	v3 =	vld [tilespmem:$0x0];
	_ =	sdelay $0x4  }
0x11: {  	v4 =	vshll.u32 v3, $0x1  }
0x12: {  	v3 =	vand.u32 $0x7, v3;
	v4 =	vand.u32 $0xFFFFFFF0, v4  }
0x13: {  	v3 =	vor.u32 v3, v4  }
0x14: {  	v4 =	vperm.xlane v3, v0;
	_ =	sdelay $0x1  }
0x15: {  	v3 =	vperm.xlane v3, v2;
	v4 =	vadd.s32 v1, v4;
	_ =	sdelay $0x1  }
0x16: {  	v3 =	vadd.s32 v1, v3;
	_ =	sdelay $0x2  }
0x17: {  	[tilespmem:s8], [sflag:$0x1] =	stream.indirect_vreg.gather [hbm4b:s1+s3], $0x80, v4, vm0, $0xb8;
	[tilespmem:$0x2080] =	vst v63  }
0x18: {  	_ = 	snop  }
0x19: {  	[tilespmem:s9], [sflag:$0x1] =	stream.indirect_vreg.gather [hbm4b:s1+s3], $0x80, v3, vm0, $0xb8;
	[tilespmem:$0x2080] =	vst v63  }
0x1a: {  	v3 =	vld [tilespmem:$0x10];
	_ =	sdelay $0x4  }
0x1b: {  	v63 =	vshll.u32 v3, $0x1  }
0x1c: {  	v3 =	vand.u32 $0x7, v3;
	v4 =	vand.u32 $0xFFFFFFF0, v63  }
0x1d: {  	v3 =	vor.u32 v3, v4  }
0x1e: {  	v4 =	vperm.xlane v3, v0;
	_ =	sdelay $0x1  }
0x1f: {  	v3 =	vperm.xlane v3, v2;
	v4 =	vadd.s32 v1, v4;
	_ =	sdelay $0x1  }
0x20: {  	v3 =	vadd.s32 v1, v3;
	_ =	sdelay $0x2  }
0x21: {  	[tilespmem:s10], [sflag:$0x1] =	stream.indirect_vreg.gather [hbm4b:s1+s3], $0x80, v4, vm0, $0xb8;
	[tilespmem:$0x2080] =	vst v63  }
0x22: {  	_ = 	snop  }
0x23: {  	[tilespmem:s11], [sflag:$0x1] =	stream.indirect_vreg.gather [hbm4b:s1+s3], $0x80, v3, vm0, $0xb8;
	[tilespmem:$0x2080] =	vst v63  }
0x24: {  	_ =	swait.ge [sflag:s12], $0x2000  }
0x25: {  	p0 =	sne.s32 s6, $0x1;
	[sflag:s12] =	ssyncset.done $0x0  }
.Ltmp0:
0x26: {  	[sflag:s12] =	ssyncadd.s32 $0xFFFFE000;
	(pc) =	sbr.rel @p0 .LBB2_1-.Ltmp0, $4  }
0x27: {  	[hbm4b:s5+s3] =	stream.linear.scatter [tilespmem:s8], [sflag:$0x2], $0x2000, $0x38;
	[tilespmem:$0x2080] =	vst v63  }
0x28: {  	_ =	swait.ge [sflag:s7], $0x2000  }
0x29: {  	[sflag:s7] =	ssyncset.done $0x0  }
0x2a: {  	s6 =	sadd.s32 $0xFFFFFFFF, s6;
	[sflag:s7] =	ssyncadd.s32 $0xFFFFE000  }
0x2b: {  	_ =	sfence.sel $0x180000  }
0x2c: {  	[bflag:$0x0] =	sbarrier.arrive $0xFFFF  }
0x2d: {  	p0 =	sne.s32 s2, $0x0;
	_ =	strace $0x90000047  }
0x2e: {  	s0 =	sadd.s32 @!p0 $0x100000, s0;
	[bflag:$0x2] =	sbarrier.arrive $0xFFFF  }
0x2f: {  	[sflag:s0] =	ssyncadd.tile.s32 @!p0 $0x1;
	_ =	shalt  }
.Lfunc_end2:
_tile_overlayer_lowered:
.L_overlay_start_2:
0x30: {  	(tag) =	ssettag $0x2  }
0x31: {  	s0 =	rddreg [dreg:$0x0];
	s2 =	stileid.u32  }
0x32: {  	s1 =	rddreg [dreg:$0x1];
	p0 =	sne.s32 s2, $0x0  }
0x33: {  	s3 =	rddreg [dreg:$0x2];
	[bflag:$0x3] =	sbarrier.arrive $0xFFFF;
	s2 =	simm.s32 @!p0 $0x1C02  }
0x34: {  	[timem:s3], [sflag:s2] =	dma.local @!p0 [hbm:s0], s1  }
0x35: {  	s0 =	simm.s32 @!p0 $0x2  }
0x36: {  	_ =	swait.ge @!p0 [sflag:s0], s1  }
0x37: {  	s1 =	ssub.s32 @!p0 $0x0, s1;
	[sflag:s0] =	ssyncset.done @!p0 $0x0  }
0x38: {  	[sflag:s0] =	ssyncadd.s32 @!p0 s1  }
0x39: {  	[bflag:$0x3] =	sbarrier.arrive $0xFFFF  }
0x3a: {  	_ =	shalt  }

</sc_bundles>
